<compile_context>
chip_gen: v7x
topology: tpu7x:2x2x1
jax: 0.10.2.dev20260603
libtpu: 0.0.44.dev20260713+nightly
codegen_flags: <defaults>
</compile_context>

<pallas_src>
import functools

import jax
import jax.numpy as jnp
from jax import lax
from jax.experimental import pallas as pl
from jax.experimental.pallas import tpu as pltpu
from jax.experimental.pallas import tpu_sc as plsc

_D = 128
_B = 4096
_L = 16

_info = plsc.get_sparse_core_info()
_NC = _info.num_cores
_NS = _info.num_subcores
_NW = _NC * _NS
_BPW = _B // _NW
_VPR = _D // _L

_mesh = plsc.VectorSubcoreMesh(core_axis_name="c", subcore_axis_name="s")


@functools.partial(
    pl.kernel,
    mesh=_mesh,
    out_type=jax.ShapeDtypeStruct((_NW, _L), jnp.float32),
    scratch_types=[
        pltpu.VMEM((_BPW,), jnp.int32),
        pltpu.VMEM((_BPW, _D), jnp.float32),
        pltpu.VMEM((_BPW, _D), jnp.float32),
        pltpu.VMEM((_L,), jnp.float32),
        pltpu.SemaphoreType.DMA,
        pltpu.SemaphoreType.DMA,
    ],
)
def _loss_parts(target_hbm, emb_hbm, centers_hbm, out_hbm,
                idx_v, ctr_v, emb_v, acc_v, sem_e, sem_g):
    wid = lax.axis_index("s") * _NC + lax.axis_index("c")
    base = wid * _BPW
    emb_cp = pltpu.async_copy(emb_hbm.at[pl.ds(base, _BPW)], emb_v, sem_e)
    pltpu.sync_copy(target_hbm.at[pl.ds(base, _BPW)], idx_v)
    gather = pltpu.async_copy(centers_hbm.at[idx_v], ctr_v, sem_g)
    emb_cp.wait()
    gather.wait()

    def row(r, accs):
        new = []
        for j in range(_VPR):
            d = emb_v[r, pl.ds(j * _L, _L)] - ctr_v[r, pl.ds(j * _L, _L)]
            new.append(accs[j] + d * d)
        return tuple(new)

    zero = jnp.zeros((_L,), jnp.float32)
    accs = lax.fori_loop(0, _BPW, row, (zero,) * _VPR)
    acc = accs[0]
    for j in range(1, _VPR):
        acc = acc + accs[j]
    acc_v[...] = 0.5 * acc
    pltpu.sync_copy(acc_v, out_hbm.at[wid])


def _finish_body(p_ref, o_ref):
    o_ref[0, 0] = jnp.sum(p_ref[...])


@jax.jit
def _center_loss(target, vector_embedding, centers):
    parts = _loss_parts(target, vector_embedding, centers)
    out = pl.pallas_call(
        _finish_body,
        out_shape=jax.ShapeDtypeStruct((1, 1), jnp.float32),
        in_specs=[pl.BlockSpec(memory_space=pltpu.VMEM)],
        out_specs=pl.BlockSpec(memory_space=pltpu.SMEM),
    )(parts)
    return out[0, 0]


def kernel(target, vector_embedding, centers):
    return _center_loss(target.astype(jnp.int32), vector_embedding, centers)

# --- scband reference (transcript-rebuilt; emitter-appended) ---
"""Pipeline reference for scband-center-loss-test-53979148976799 (READ-ONLY COPY).

The authoritative reference and input builder live on the scoring server;
editing this copy changes nothing except your own understanding.
"""

import jax, jax.numpy as jnp
import numpy as np

NUM_CLASS = 1000
VECTOR_SIZE = 128
BATCH = 4096

def setup_inputs(seed: int = 0) -> dict:
    key = jax.random.key(seed)
    k1, k2 = jax.random.split(key)
    target = jax.random.randint(k1, (BATCH,), 0, NUM_CLASS, dtype=jnp.int64 if jax.config.jax_enable_x64 else jnp.int32)
    vector_embedding = jax.random.normal(k2, (BATCH, VECTOR_SIZE), dtype=jnp.float32)
    centers = jnp.ones((NUM_CLASS, VECTOR_SIZE), dtype=jnp.float32)
    return {"target": target, "vector_embedding": vector_embedding, "centers": centers}

def reference(target, vector_embedding, centers):
    center_by_target = jnp.take(centers, target, axis=0)
    diff = vector_embedding - center_by_target
    return 0.5 * jnp.sum(diff ** 2)

if __name__ == "__main__":
    import jax
    _d = setup_inputs()
    print(jax.jit(kernel)(*tuple(_d.values())))

</pallas_src>

<mosaic_0001>
#map = affine_map<(d0, d1) -> (0)>
#map1 = affine_map<(d0, d1) -> (0, 0)>
module attributes {stable_mosaic.version = 14 : i64} {
  func.func @_loss_parts(%arg0: i32, %arg1: i32, %arg2: memref<4096xi32, #tpu.memory_space<hbm>>, %arg3: memref<4096x128xf32, #tpu.memory_space<hbm>>, %arg4: memref<1000x128xf32, #tpu.memory_space<hbm>>, %arg5: memref<32x16xf32, #tpu.memory_space<hbm>>, %arg6: memref<128xi32, #tpu.memory_space<vmem>>, %arg7: memref<128x128xf32, #tpu.memory_space<vmem>>, %arg8: memref<128x128xf32, #tpu.memory_space<vmem>>, %arg9: memref<16xf32, #tpu.memory_space<vmem>>, %arg10: memref<!tpu.dma_semaphore, #tpu.memory_space<semaphore_mem>>, %arg11: memref<!tpu.dma_semaphore, #tpu.memory_space<semaphore_mem>>) attributes {dimension_semantics = [#tpu.dimension_semantics<core_parallel>, #tpu.dimension_semantics<subcore_parallel>], iteration_bounds = array<i64: 2, 16>, scalar_prefetch = 0 : i64, scratch_operands = 6 : i64, tpu.core_type = #tpu.core_type<sc_vector_subcore>, window_params = [{transform_indices = #map}, {transform_indices = #map1}, {transform_indices = #map1}, {transform_indices = #map1}]} {
    %mul3A = arith.constant 2 : i32
    %mul3A_0 = arith.muli %arg1, %mul3A : i32
    %add3A = arith.addi %mul3A_0, %arg0 : i32
    %mul3A_1 = arith.constant 128 : i32
    %mul3A_2 = arith.muli %add3A, %mul3A_1 : i32
    %dma_start3A = arith.constant 0 : i32
    %dma_start3A_3 = tpu.memref_slice %arg3[%mul3A_2, %dma_start3A] : memref<4096x128xf32, #tpu.memory_space<hbm>> -> memref<128x128xf32, #tpu.memory_space<hbm>>
    %dma_start3A_4 = arith.constant 0 : i32
    %dma_start3A_5 = tpu.memref_slice %arg3[%mul3A_2, %dma_start3A_4] : memref<4096x128xf32, #tpu.memory_space<hbm>> -> memref<128x128xf32, #tpu.memory_space<hbm>>
    tpu.enqueue_dma source(%dma_start3A_5 : memref<128x128xf32, #tpu.memory_space<hbm>>) target(%arg8 : memref<128x128xf32, #tpu.memory_space<vmem>>) target_semaphore(%arg10 : memref<!tpu.dma_semaphore, #tpu.memory_space<semaphore_mem>>)
    "tpu.region"() ({
      %run_scoped3A = tpu.sem_alloc : memref<!tpu.dma_semaphore, #tpu.memory_space<semaphore_mem>>
      %dma_start3A_34 = tpu.memref_slice %arg2[%mul3A_2] : memref<4096xi32, #tpu.memory_space<hbm>> -> memref<128xi32, #tpu.memory_space<hbm>>
      %dma_start3A_35 = tpu.memref_slice %arg2[%mul3A_2] : memref<4096xi32, #tpu.memory_space<hbm>> -> memref<128xi32, #tpu.memory_space<hbm>>
      tpu.enqueue_dma source(%dma_start3A_35 : memref<128xi32, #tpu.memory_space<hbm>>) target(%arg6 : memref<128xi32, #tpu.memory_space<vmem>>) target_semaphore(%run_scoped3A : memref<!tpu.dma_semaphore, #tpu.memory_space<semaphore_mem>>)
      %dma_wait3A_36 = tpu.memref_slice %arg2[%mul3A_2] : memref<4096xi32, #tpu.memory_space<hbm>> -> memref<128xi32, #tpu.memory_space<hbm>>
      %dma_wait3A_37 = tpu.memref_slice %arg2[%mul3A_2] : memref<4096xi32, #tpu.memory_space<hbm>> -> memref<128xi32, #tpu.memory_space<hbm>>
      tpu.wait_dma2 semaphore(%run_scoped3A : memref<!tpu.dma_semaphore, #tpu.memory_space<semaphore_mem>>) src(%dma_wait3A_37 : memref<128xi32, #tpu.memory_space<hbm>>) dst(%arg6 : memref<128xi32, #tpu.memory_space<vmem>>)
      tpu.yield
    }) : () -> ()
    %dma_start3A_6 = arith.constant 0 : i32
    %dma_start3A_7 = arith.constant 0 : i32
    %dma_start3A_8 = tpu.memref_slice %arg4[%dma_start3A_6, %dma_start3A_7] : memref<1000x128xf32, #tpu.memory_space<hbm>> -> memref<1000x128xf32, #tpu.memory_space<hbm>>
    tpu.enqueue_indirect_dma source(%dma_start3A_8 : memref<1000x128xf32, #tpu.memory_space<hbm>>) target(%arg7 : memref<128x128xf32, #tpu.memory_space<vmem>>) offsets(%arg6 : memref<128xi32, #tpu.memory_space<vmem>>) semaphore(%arg11 : memref<!tpu.dma_semaphore, #tpu.memory_space<semaphore_mem>>)
    %dma_wait3A = arith.constant 0 : i32
    %dma_wait3A_9 = tpu.memref_slice %arg3[%mul3A_2, %dma_wait3A] : memref<4096x128xf32, #tpu.memory_space<hbm>> -> memref<128x128xf32, #tpu.memory_space<hbm>>
    %dma_wait3A_10 = arith.constant 0 : i32
    %dma_wait3A_11 = tpu.memref_slice %arg3[%mul3A_2, %dma_wait3A_10] : memref<4096x128xf32, #tpu.memory_space<hbm>> -> memref<128x128xf32, #tpu.memory_space<hbm>>
    tpu.wait_dma2 semaphore(%arg10 : memref<!tpu.dma_semaphore, #tpu.memory_space<semaphore_mem>>) src(%dma_wait3A_11 : memref<128x128xf32, #tpu.memory_space<hbm>>) dst(%arg8 : memref<128x128xf32, #tpu.memory_space<vmem>>)
    %dma_wait3A_12 = arith.constant 0 : i32
    %dma_wait3A_13 = arith.constant 0 : i32
    %dma_wait3A_14 = tpu.memref_slice %arg4[%dma_wait3A_12, %dma_wait3A_13] : memref<1000x128xf32, #tpu.memory_space<hbm>> -> memref<1000x128xf32, #tpu.memory_space<hbm>>
    tpu.wait_indirect_dma semaphore(%arg11 : memref<!tpu.dma_semaphore, #tpu.memory_space<semaphore_mem>>) src(%dma_wait3A_14 : memref<1000x128xf32, #tpu.memory_space<hbm>>) dst(%arg7 : memref<128x128xf32, #tpu.memory_space<vmem>>)
    %broadcast_in_dim3A = arith.constant 0.000000e+00 : f32
    %broadcast_in_dim3A_15 = vector.broadcast %broadcast_in_dim3A : f32 to vector<16xf32>
    %scan3A = arith.constant 0 : i32
    %scan3A_16 = arith.constant 128 : i32
    %scan3A_17 = arith.addi %scan3A, %scan3A_16 : i32
    %scan3A_18 = arith.constant 1 : i32
    %scan3A_19:8 = scf.for %scan3A_34 = %scan3A to %scan3A_17 step %scan3A_18 iter_args(%scan3A_35 = %broadcast_in_dim3A_15, %scan3A_36 = %broadcast_in_dim3A_15, %scan3A_37 = %broadcast_in_dim3A_15, %scan3A_38 = %broadcast_in_dim3A_15, %scan3A_39 = %broadcast_in_dim3A_15, %scan3A_40 = %broadcast_in_dim3A_15, %scan3A_41 = %broadcast_in_dim3A_15, %scan3A_42 = %broadcast_in_dim3A_15) -> (vector<16xf32>, vector<16xf32>, vector<16xf32>, vector<16xf32>, vector<16xf32>, vector<16xf32>, vector<16xf32>, vector<16xf32>)  : i32 {
      %get3A = arith.index_cast %scan3A_34 : i32 to index
      %get3A_43 = arith.constant 0 : index
      %get3A_44 = tpu.vector_load %arg8[%get3A, %get3A_43] {strides = array<i32>} : memref<128x128xf32, #tpu.memory_space<vmem>>, vector<1x16xf32>,
      %get3A_45 = vector.shape_cast %get3A_44 : vector<1x16xf32> to vector<16xf32>
      %get3A_46 = arith.index_cast %scan3A_34 : i32 to index
      %get3A_47 = arith.constant 0 : index
      %get3A_48 = tpu.vector_load %arg7[%get3A_46, %get3A_47] {strides = array<i32>} : memref<128x128xf32, #tpu.memory_space<vmem>>, vector<1x16xf32>,
      %get3A_49 = vector.shape_cast %get3A_48 : vector<1x16xf32> to vector<16xf32>
      %sub3A = arith.subf %get3A_45, %get3A_49 : vector<16xf32>
      %mul3A_50 = arith.mulf %sub3A, %sub3A : vector<16xf32>
      %add3A_51 = arith.addf %scan3A_35, %mul3A_50 : vector<16xf32>
      %get3A_52 = arith.index_cast %scan3A_34 : i32 to index
      %get3A_53 = arith.constant 16 : index
      %get3A_54 = tpu.vector_load %arg8[%get3A_52, %get3A_53] {strides = array<i32>} : memref<128x128xf32, #tpu.memory_space<vmem>>, vector<1x16xf32>,
      %get3A_55 = vector.shape_cast %get3A_54 : vector<1x16xf32> to vector<16xf32>
      %get3A_56 = arith.index_cast %scan3A_34 : i32 to index
      %get3A_57 = arith.constant 16 : index
      %get3A_58 = tpu.vector_load %arg7[%get3A_56, %get3A_57] {strides = array<i32>} : memref<128x128xf32, #tpu.memory_space<vmem>>, vector<1x16xf32>,
      %get3A_59 = vector.shape_cast %get3A_58 : vector<1x16xf32> to vector<16xf32>
      %sub3A_60 = arith.subf %get3A_55, %get3A_59 : vector<16xf32>
      %mul3A_61 = arith.mulf %sub3A_60, %sub3A_60 : vector<16xf32>
      %add3A_62 = arith.addf %scan3A_36, %mul3A_61 : vector<16xf32>
      %get3A_63 = arith.index_cast %scan3A_34 : i32 to index
      %get3A_64 = arith.constant 32 : index
      %get3A_65 = tpu.vector_load %arg8[%get3A_63, %get3A_64] {strides = array<i32>} : memref<128x128xf32, #tpu.memory_space<vmem>>, vector<1x16xf32>,
      %get3A_66 = vector.shape_cast %get3A_65 : vector<1x16xf32> to vector<16xf32>
      %get3A_67 = arith.index_cast %scan3A_34 : i32 to index
      %get3A_68 = arith.constant 32 : index
      %get3A_69 = tpu.vector_load %arg7[%get3A_67, %get3A_68] {strides = array<i32>} : memref<128x128xf32, #tpu.memory_space<vmem>>, vector<1x16xf32>,
      %get3A_70 = vector.shape_cast %get3A_69 : vector<1x16xf32> to vector<16xf32>
      %sub3A_71 = arith.subf %get3A_66, %get3A_70 : vector<16xf32>
      %mul3A_72 = arith.mulf %sub3A_71, %sub3A_71 : vector<16xf32>
      %add3A_73 = arith.addf %scan3A_37, %mul3A_72 : vector<16xf32>
      %get3A_74 = arith.index_cast %scan3A_34 : i32 to index
      %get3A_75 = arith.constant 48 : index
      %get3A_76 = tpu.vector_load %arg8[%get3A_74, %get3A_75] {strides = array<i32>} : memref<128x128xf32, #tpu.memory_space<vmem>>, vector<1x16xf32>,
      %get3A_77 = vector.shape_cast %get3A_76 : vector<1x16xf32> to vector<16xf32>
      %get3A_78 = arith.index_cast %scan3A_34 : i32 to index
      %get3A_79 = arith.constant 48 : index
      %get3A_80 = tpu.vector_load %arg7[%get3A_78, %get3A_79] {strides = array<i32>} : memref<128x128xf32, #tpu.memory_space<vmem>>, vector<1x16xf32>,
      %get3A_81 = vector.shape_cast %get3A_80 : vector<1x16xf32> to vector<16xf32>
      %sub3A_82 = arith.subf %get3A_77, %get3A_81 : vector<16xf32>
      %mul3A_83 = arith.mulf %sub3A_82, %sub3A_82 : vector<16xf32>
      %add3A_84 = arith.addf %scan3A_38, %mul3A_83 : vector<16xf32>
      %get3A_85 = arith.index_cast %scan3A_34 : i32 to index
      %get3A_86 = arith.constant 64 : index
      %get3A_87 = tpu.vector_load %arg8[%get3A_85, %get3A_86] {strides = array<i32>} : memref<128x128xf32, #tpu.memory_space<vmem>>, vector<1x16xf32>,
      %get3A_88 = vector.shape_cast %get3A_87 : vector<1x16xf32> to vector<16xf32>
      %get3A_89 = arith.index_cast %scan3A_34 : i32 to index
      %get3A_90 = arith.constant 64 : index
      %get3A_91 = tpu.vector_load %arg7[%get3A_89, %get3A_90] {strides = array<i32>} : memref<128x128xf32, #tpu.memory_space<vmem>>, vector<1x16xf32>,
      %get3A_92 = vector.shape_cast %get3A_91 : vector<1x16xf32> to vector<16xf32>
      %sub3A_93 = arith.subf %get3A_88, %get3A_92 : vector<16xf32>
      %mul3A_94 = arith.mulf %sub3A_93, %sub3A_93 : vector<16xf32>
      %add3A_95 = arith.addf %scan3A_39, %mul3A_94 : vector<16xf32>
      %get3A_96 = arith.index_cast %scan3A_34 : i32 to index
      %get3A_97 = arith.constant 80 : index
      %get3A_98 = tpu.vector_load %arg8[%get3A_96, %get3A_97] {strides = array<i32>} : memref<128x128xf32, #tpu.memory_space<vmem>>, vector<1x16xf32>,
      %get3A_99 = vector.shape_cast %get3A_98 : vector<1x16xf32> to vector<16xf32>
      %get3A_100 = arith.index_cast %scan3A_34 : i32 to index
      %get3A_101 = arith.constant 80 : index
      %get3A_102 = tpu.vector_load %arg7[%get3A_100, %get3A_101] {strides = array<i32>} : memref<128x128xf32, #tpu.memory_space<vmem>>, vector<1x16xf32>,
      %get3A_103 = vector.shape_cast %get3A_102 : vector<1x16xf32> to vector<16xf32>
      %sub3A_104 = arith.subf %get3A_99, %get3A_103 : vector<16xf32>
      %mul3A_105 = arith.mulf %sub3A_104, %sub3A_104 : vector<16xf32>
      %add3A_106 = arith.addf %scan3A_40, %mul3A_105 : vector<16xf32>
      %get3A_107 = arith.index_cast %scan3A_34 : i32 to index
      %get3A_108 = arith.constant 96 : index
      %get3A_109 = tpu.vector_load %arg8[%get3A_107, %get3A_108] {strides = array<i32>} : memref<128x128xf32, #tpu.memory_space<vmem>>, vector<1x16xf32>,
      %get3A_110 = vector.shape_cast %get3A_109 : vector<1x16xf32> to vector<16xf32>
      %get3A_111 = arith.index_cast %scan3A_34 : i32 to index
      %get3A_112 = arith.constant 96 : index
      %get3A_113 = tpu.vector_load %arg7[%get3A_111, %get3A_112] {strides = array<i32>} : memref<128x128xf32, #tpu.memory_space<vmem>>, vector<1x16xf32>,
      %get3A_114 = vector.shape_cast %get3A_113 : vector<1x16xf32> to vector<16xf32>
      %sub3A_115 = arith.subf %get3A_110, %get3A_114 : vector<16xf32>
      %mul3A_116 = arith.mulf %sub3A_115, %sub3A_115 : vector<16xf32>
      %add3A_117 = arith.addf %scan3A_41, %mul3A_116 : vector<16xf32>
      %get3A_118 = arith.index_cast %scan3A_34 : i32 to index
      %get3A_119 = arith.constant 112 : index
      %get3A_120 = tpu.vector_load %arg8[%get3A_118, %get3A_119] {strides = array<i32>} : memref<128x128xf32, #tpu.memory_space<vmem>>, vector<1x16xf32>,
      %get3A_121 = vector.shape_cast %get3A_120 : vector<1x16xf32> to vector<16xf32>
      %get3A_122 = arith.index_cast %scan3A_34 : i32 to index
      %get3A_123 = arith.constant 112 : index
      %get3A_124 = tpu.vector_load %arg7[%get3A_122, %get3A_123] {strides = array<i32>} : memref<128x128xf32, #tpu.memory_space<vmem>>, vector<1x16xf32>,
      %get3A_125 = vector.shape_cast %get3A_124 : vector<1x16xf32> to vector<16xf32>
      %sub3A_126 = arith.subf %get3A_121, %get3A_125 : vector<16xf32>
      %mul3A_127 = arith.mulf %sub3A_126, %sub3A_126 : vector<16xf32>
      %add3A_128 = arith.addf %scan3A_42, %mul3A_127 : vector<16xf32>
      scf.yield %add3A_51, %add3A_62, %add3A_73, %add3A_84, %add3A_95, %add3A_106, %add3A_117, %add3A_128 : vector<16xf32>, vector<16xf32>, vector<16xf32>, vector<16xf32>, vector<16xf32>, vector<16xf32>, vector<16xf32>, vector<16xf32>
    }
    %scan3A_20 = arith.constant 128 : i32
    %add3A_21 = arith.addf %scan3A_19#0, %scan3A_19#1 : vector<16xf32>
    %add3A_22 = arith.addf %add3A_21, %scan3A_19#2 : vector<16xf32>
    %add3A_23 = arith.addf %add3A_22, %scan3A_19#3 : vector<16xf32>
    %add3A_24 = arith.addf %add3A_23, %scan3A_19#4 : vector<16xf32>
    %add3A_25 = arith.addf %add3A_24, %scan3A_19#5 : vector<16xf32>
    %add3A_26 = arith.addf %add3A_25, %scan3A_19#6 : vector<16xf32>
    %add3A_27 = arith.addf %add3A_26, %scan3A_19#7 : vector<16xf32>
    %mul3A_28 = arith.constant 5.000000e-01 : f32
    %mul3A_29 = vector.broadcast %mul3A_28 : f32 to vector<16xf32>
    %mul3A_30 = arith.mulf %mul3A_29, %add3A_27 : vector<16xf32>
    %swap3A = arith.constant 0 : index
    %swap3A_31 = tpu.vector_load %arg9[%swap3A] {strides = array<i32>} : memref<16xf32, #tpu.memory_space<vmem>>, vector<16xf32>,
    %swap3A_32 = vector.shape_cast %swap3A_31 : vector<16xf32> to vector<16xf32>
    %swap3A_33 = vector.shape_cast %mul3A_30 : vector<16xf32> to vector<16xf32>
    tpu.vector_store %arg9[%swap3A], %swap3A_33 {strides = array<i32>} : memref<16xf32, #tpu.memory_space<vmem>>, vector<16xf32>,
    "tpu.region"() ({
      %run_scoped3A = tpu.sem_alloc : memref<!tpu.dma_semaphore, #tpu.memory_space<semaphore_mem>>
      %dma_start3A_34 = arith.constant 0 : i32
      %dma_start3A_35 = tpu.memref_slice %arg5[%add3A, %dma_start3A_34] : memref<32x16xf32, #tpu.memory_space<hbm>> -> memref<1x16xf32, #tpu.memory_space<hbm>>
      %dma_start3A_36 = tpu.memref_squeeze %dma_start3A_35 : memref<1x16xf32, #tpu.memory_space<hbm>> -> memref<16xf32, #tpu.memory_space<hbm>>
      %dma_start3A_37 = arith.constant 0 : i32
      %dma_start3A_38 = tpu.memref_slice %arg5[%add3A, %dma_start3A_37] : memref<32x16xf32, #tpu.memory_space<hbm>> -> memref<1x16xf32, #tpu.memory_space<hbm>>
      %dma_start3A_39 = tpu.memref_squeeze %dma_start3A_38 : memref<1x16xf32, #tpu.memory_space<hbm>> -> memref<16xf32, #tpu.memory_space<hbm>>
      tpu.enqueue_dma source(%arg9 : memref<16xf32, #tpu.memory_space<vmem>>) target(%dma_start3A_39 : memref<16xf32, #tpu.memory_space<hbm>>) target_semaphore(%run_scoped3A : memref<!tpu.dma_semaphore, #tpu.memory_space<semaphore_mem>>)
      %dma_wait3A_40 = arith.constant 0 : i32
      %dma_wait3A_41 = tpu.memref_slice %arg5[%add3A, %dma_wait3A_40] : memref<32x16xf32, #tpu.memory_space<hbm>> -> memref<1x16xf32, #tpu.memory_space<hbm>>
      %dma_wait3A_42 = tpu.memref_squeeze %dma_wait3A_41 : memref<1x16xf32, #tpu.memory_space<hbm>> -> memref<16xf32, #tpu.memory_space<hbm>>
      %dma_wait3A_43 = arith.constant 0 : i32
      %dma_wait3A_44 = tpu.memref_slice %arg5[%add3A, %dma_wait3A_43] : memref<32x16xf32, #tpu.memory_space<hbm>> -> memref<1x16xf32, #tpu.memory_space<hbm>>
      %dma_wait3A_45 = tpu.memref_squeeze %dma_wait3A_44 : memref<1x16xf32, #tpu.memory_space<hbm>> -> memref<16xf32, #tpu.memory_space<hbm>>
      tpu.wait_dma2 semaphore(%run_scoped3A : memref<!tpu.dma_semaphore, #tpu.memory_space<semaphore_mem>>) src(%arg9 : memref<16xf32, #tpu.memory_space<vmem>>) dst(%dma_wait3A_45 : memref<16xf32, #tpu.memory_space<hbm>>)
      tpu.yield
    }) : () -> ()
    return
  }
}

module attributes {stable_mosaic.version = 14 : i64} {
  func.func @_finish_body(%arg0: memref<32x16xf32, #tpu.memory_space<vmem>>, %arg1: memref<1x1xf32, #tpu.memory_space<smem>>) attributes {dimension_semantics = [], scalar_prefetch = 0 : i64, scratch_operands = 0 : i64, tpu.core_type = #tpu.core_type<tc>} {
    %get3A = arith.constant 0 : index
    %get3A_0 = arith.constant 0 : index
    %get3A_1 = vector.load %arg0[%get3A, %get3A_0] : memref<32x16xf32, #tpu.memory_space<vmem>>, vector<32x16xf32>
    %reduce_sum3A = vector.shape_cast %get3A_1 : vector<32x16xf32> to vector<1x32x16xf32>
    %reduce_sum3A_2 = arith.constant dense<0.000000e+00> : vector<1xf32>
    %reduce_sum3A_3 = vector.multi_reduction <add>, %reduce_sum3A, %reduce_sum3A_2 [1, 2] : vector<1x32x16xf32> to vector<1xf32>
    %reduce_sum3A_4 = vector.shape_cast %reduce_sum3A_3 : vector<1xf32> to vector<1x1x1xf32>
    %reduce_sum3A_5 = vector.extract %reduce_sum3A_4[0, 0, 0] : f32 from vector<1x1x1xf32>
    %swap3A = arith.constant 0 : index
    %swap3A_6 = arith.constant 0 : index
    %swap3A_7 = memref.load %arg1[%swap3A, %swap3A_6] : memref<1x1xf32, #tpu.memory_space<smem>>
    memref.store %reduce_sum3A_5, %arg1[%swap3A, %swap3A_6] : memref<1x1xf32, #tpu.memory_space<smem>>
    return
  }
}

</mosaic_0001>

<sc_bundles>
// kernel: _center_loss.4.cloned.1.call-start
scs
__scs_entry_jumppad:
0x0: {  	(pc) =	sbr.rel $0x88, $3  }
0x1: {  	(tag) =	ssettag $0x0;
	lr =	simm.s32 $0x1  }
0x2: {  	[smem:$0x3F9E] =	sst lr;
	_ =	strace $0xD0000000  }
0x3: {  	_ = 	snop  }
0x4: {  	_ = 	snop  }
0x5: {  	_ = 	snop  }
0x6: {  	_ = 	snop  }
0x7: {  	_ = 	snop  }
__scs_overlays_trampoline_lowered:
0x8: {  	[smem:$0x3FAD] =	sst s0  }
0x9: {  	[smem:$0x3FAE] =	sst s1  }
0xa: {  	[smem:$0x3FAF] =	sst s2  }
0xb: {  	[smem:$0x3FB0] =	sst s3  }
0xc: {  	[smem:$0x3FB1] =	sst s4  }
0xd: {  	[smem:$0x3FB2] =	sst s5  }
0xe: {  	[smem:$0x3FB3] =	sst s6  }
0xf: {  	[smem:$0x3FB4] =	sst s7  }
0x10: {  	[smem:$0x3FB5] =	sst s8  }
0x11: {  	[smem:$0x3FB6] =	sst s9;
	s0 =	simm.s32 @!p0 $0x0  }
0x12: {  	s1 =	sld [smem:$0x3F9C];
	s0 =	simm.s32 @p0 $0x1  }
0x13: {  	[smem:$0x3FB7] =	sst s0;
	s0 =	simm.s32 @!p1 $0x0  }
0x14: {  	s2 =	sld [smem:$0x3F9B];
	s0 =	simm.s32 @p1 $0x1  }
0x15: {  	[smem:$0x3FB8] =	sst s0;
	s0 =	simm.s32 @!p2 $0x0  }
0x16: {  	s3 =	sld [smem:$0x3FDB];
	s0 =	simm.s32 @p2 $0x1  }
0x17: {  	s4 =	simm.s32 $0x1BF5;
	[smem:$0x3FBA] =	sst s0  }
0x18: {  	s0 =	sld [smem:$0x3F9D];
	_ =	swait.ge [sflag:s4], $0x0  }
0x19: {  	s7 =	sld [smem:$0x3F9E]  }
0x1a: {  	s8 =	sadd.s32 $0xFFFFE003, lr  }
0x1b: {  	s9 =	sadd.s32 $0xFFFFFEF7, lr;
	s5 =	simm.s32 $0xFFFFFFFF;
	p2 =	slt.u32 s8, $0xFFFFF086  }
0x1c: {  	p1 =	slt.u32 s9, $0xF7A;
	s5 =	simm.s32 @!p2 $0x0  }
0x1d: {  	s5 =	simm.s32 @p1 $0x1;
	p0 =	seq.s32 s7, s2  }
0x1e: {  	s7 =	smul.u32 @!p0 $0xF7A, s2;
	p2 =	seq.s32 @!p0 s5, $0x0  }
0x1f: {  	s9 =	smul.u32 $0xF7A, s1;
	s8 =	simm.s32 @!p0 $0x1BF5;
	p2 =	por !p2, p0  }
0x20: {  	[sflag:s8] =	ssyncset.s32 @!p0 $0xFFFFF086;
	s6 =	sadd.s32 @!p0 s3, s7;
	s7 =	simm.s32 @!p0 $0x108  }
0x21: {  	s3 =	sadd.s32 s3, s9;
	s6 =	sadd.s32 @!p0 $0x88, s6;
	s7 =	simm.s32 @p2 $0x1082  }
0x22: {  	[simem:s7], [sflag:s8] =	dma.local @!p0 [hbm:s6], $0xF7A  }
0x23: {  	s9 =	sor.u32 $0xD0000000, s2;
	s6 =	simm.s32 $0x108;
	_ =	swait.ge @!p0 [sflag:s8], $0x0  }
0x24: {  	s3 =	sadd.s32 $0x88, s3;
	s6 =	simm.s32 @!p1 $0x1082;
	[sflag:s4] =	ssyncset.s32 $0xFFFFF086  }
0x25: {  	[simem:s6], [sflag:s4] =	dma.local [hbm:s3], $0xF7A  }
0x26: {  	[smem:$0x3F9E] =	sst s1;
	(tag) =	ssettag s2;
	_ =	strace s9  }
0x27: {  	s1 =	sld [smem:$0x3FAE]  }
0x28: {  	s2 =	sld [smem:$0x3FAF]  }
0x29: {  	s4 =	sld [smem:$0x3FB1]  }
0x2a: {  	p0 =	seq.s32 s5, $0x0;
	s5 =	sld [smem:$0x3FB2]  }
0x2b: {  	s6 =	sld [smem:$0x3FB3]  }
0x2c: {  	s7 =	sld [smem:$0x3FB4]  }
0x2d: {  	s3 =	simm.s32 $0x108;
	s8 =	sld [smem:$0x3FB5]  }
0x2e: {  	s3 =	simm.s32 @!p0 $0x1082;
	s9 =	sld [smem:$0x3FB6]  }
0x2f: {  	lr =	sadd.s32 s0, s3;
	s0 =	sld [smem:$0x3FAD]  }
0x30: {  	s3 =	sld [smem:$0x3FB0]  }
0x31: {  	[smem:$0x3FB9] =	sst s10  }
0x32: {  	s10 =	sld [smem:$0x3FB7];
	_ =	sdelay $0x3  }
0x33: {  	p0 =	seq.s32 s10, $0x1;
	s10 =	sld [smem:$0x3FB9];
	_ =	sdelay $0x3  }
0x34: {  	[smem:$0x3FB9] =	sst s10  }
0x35: {  	s10 =	sld [smem:$0x3FB8];
	_ =	sdelay $0x3  }
0x36: {  	p1 =	seq.s32 s10, $0x1;
	s10 =	sld [smem:$0x3FB9];
	_ =	sdelay $0x3  }
0x37: {  	[smem:$0x3FB9] =	sst s10  }
0x38: {  	s10 =	sld [smem:$0x3FBA]  }
0x39: {  	_ = 	snop;
	(pc) =	sbr.ind lr, $3  }
0x3a: {  	_ = 	snop  }
0x3b: {  	_ = 	snop  }
0x3c: {  	p2 =	seq.s32 s10, $0x1;
	s10 =	sld [smem:$0x3FB9]  }
0x3d: {  	_ =	shalt  }
0x3e: {  	_ =	shalt  }
0x3f: {  	_ =	shalt  }
0x40: {  	_ =	shalt  }
0x41: {  	_ =	shalt  }
0x42: {  	_ =	shalt  }
0x43: {  	_ =	shalt  }
0x44: {  	_ =	shalt  }
0x45: {  	_ =	shalt  }
0x46: {  	_ =	shalt  }
0x47: {  	_ =	shalt  }
0x48: {  	_ =	shalt  }
0x49: {  	_ =	shalt  }
0x4a: {  	_ =	shalt  }
0x4b: {  	_ =	shalt  }
0x4c: {  	_ =	shalt  }
0x4d: {  	_ =	shalt  }
0x4e: {  	_ =	shalt  }
0x4f: {  	_ =	shalt  }
0x50: {  	_ =	shalt  }
0x51: {  	_ =	shalt  }
0x52: {  	_ =	shalt  }
0x53: {  	_ =	shalt  }
0x54: {  	_ =	shalt  }
0x55: {  	_ =	shalt  }
0x56: {  	_ =	shalt  }
0x57: {  	_ =	shalt  }
0x58: {  	_ =	shalt  }
0x59: {  	_ =	shalt  }
0x5a: {  	_ =	shalt  }
0x5b: {  	_ =	shalt  }
0x5c: {  	_ =	shalt  }
0x5d: {  	_ =	shalt  }
0x5e: {  	_ =	shalt  }
0x5f: {  	_ =	shalt  }
0x60: {  	_ =	shalt  }
0x61: {  	_ =	shalt  }
0x62: {  	_ =	shalt  }
0x63: {  	_ =	shalt  }
0x64: {  	_ =	shalt  }
0x65: {  	_ =	shalt  }
0x66: {  	_ =	shalt  }
0x67: {  	_ =	shalt  }
0x68: {  	_ =	shalt  }
0x69: {  	_ =	shalt  }
0x6a: {  	_ =	shalt  }
0x6b: {  	_ =	shalt  }
0x6c: {  	_ =	shalt  }
0x6d: {  	_ =	shalt  }
0x6e: {  	_ =	shalt  }
0x6f: {  	_ =	shalt  }
0x70: {  	_ =	shalt  }
0x71: {  	_ =	shalt  }
0x72: {  	_ =	shalt  }
0x73: {  	_ =	shalt  }
0x74: {  	_ =	shalt  }
0x75: {  	_ =	shalt  }
0x76: {  	_ =	shalt  }
0x77: {  	_ =	shalt  }
0x78: {  	_ =	shalt  }
0x79: {  	_ =	shalt  }
0x7a: {  	_ =	shalt  }
0x7b: {  	_ =	shalt  }
0x7c: {  	_ =	shalt  }
0x7d: {  	_ =	shalt  }
0x7e: {  	_ =	shalt  }
0x7f: {  	_ =	shalt  }
0x80: {  	_ =	shalt  }
0x81: {  	_ =	shalt  }
0x82: {  	_ =	shalt  }
0x83: {  	_ =	shalt  }
0x84: {  	_ =	shalt  }
0x85: {  	_ =	shalt  }
0x86: {  	_ =	shalt  }
0x87: {  	_ =	shalt  }
.Lfunc_end0:
.L_simem_size_0:
called_computation_lowered:
.L_overlay_start_0:
0x88: {  	s2 =	sld [smem:$0x3FD9]  }
0x89: {  	s3 =	sld [smem:$0x3FFE];
	_ =	sdelay $0x1  }
0x8a: {  	s1 =	srdreg.scid  }
0x8b: {  	s0 =	sand.u32 $0x1, s1  }
0x8c: {  	s17 =	sshll.u32 s0, $0xA;
	s2 =	sadd.s32 s3, s2  }
0x8d: {  	s2 =	sadd.s32 s2, s17  }
0x8e: {  	[smem:$0x3FC5] =	sst s2  }
0x8f: {  	_ = 	snop  }
0x90: {  	s2 =	sld [smem:$0x3FC9]  }
0x91: {  	s18 =	sld [smem:$0x3FC8]  }
0x92: {  	s4 =	sld [smem:$0x3FC7];
	(tm) =	ssettm $0x1  }
0x93: {  	s5 =	sld [smem:$0x3FFB];
	_ =	sdelay $0x3  }
0x94: {  	_ =	strace s5  }
0x95: {  	s5 =	sld [smem:$0x3FFC];
	_ =	sdelay $0x3  }
0x96: {  	_ =	strace s5  }
0x97: {  	s5 =	sld [smem:$0x3FFD];
	_ =	sdelay $0x3  }
0x98: {  	_ =	strace s5  }
0x99: {  	_ =	strace $0x8FFFFFFF  }
0x9a: {  	s19 =	sld [smem:$0x3FDB];
	_ =	sdelay $0x1  }
0x9b: {  	s6 =	simm.s32 $_scs_section_size  }
0x9c: {  	s7 =	simm.s32 $_size__tile_overlayer_lowered;
	s8 =	simm.s32 $_tile_overlayer_lowered  }
0x9d: {  	s22 =	simm.s32 $0x1BFF;
	s21 =	sshll.u32 s8, $0x1;
	s5 =	sadd.s32 s6, s19  }
0x9e: {  	s9 =	simm.s32 $0x0;
	s20 =	sshll.u32 s7, $0x1;
	s7 =	sadd.s32 s21, s5  }
0x9f: {  	[timem:s9], [sflag:s22] =	dma.local [hbm:s7], s20  }
0xa0: {  	_ =	swait.ge [sflag:s22], s20  }
0xa1: {  	s6 =	ssub.s32 $0x0, s20;
	[sflag:s22] =	ssyncset.done $0x0  }
0xa2: {  	[sflag:s22] =	ssyncadd.s32 s6;
	_ =	sdelay $0x1  }
0xa3: {  	s23 =	simm.s32 $0x1B8B  }
0xa4: {  	_ =	swait.ge [sflag:s23], $0x1  }
0xa5: {  	[sflag:s23] =	ssyncset.done $0x0  }
0xa6: {  	s25 =	simm.s32 $0x1B8E;
	s24 =	sld [smem:$0x3FFE];
	[sflag:s23] =	ssyncadd.s32 $0xFFFFFFFF  }
0xa7: {  	s26 =	simm.s32 $execute0_lowered;
	[smem:$0x3FD2] =	sst s25  }
0xa8: {  	s7 =	sshll.u32 s26, $0x1;
	_ =	strace $0x80000046;
	[dreg:$0x1] =	wrdreg $0xFFFFFFFF  }
0xa9: {  	s28 =	simm.s32 $_size_execute0_lowered;
	s5 =	sadd.s32 s5, s7;
	[dreg:$0x0] =	wrdreg $0x0  }
0xaa: {  	s7 =	sshll.u32 s28, $0x1;
	[dreg:$0x2] =	wrdreg s5  }
0xab: {  	[dreg:$0x3] =	wrdreg s7  }
0xac: {  	[dreg:$0x4] =	wrdreg $0xC0  }
0xad: {  	_ =	task [dreg:s9], $0x5FFFF  }
0xae: {  	[dreg:$0x1] =	wrdreg $0xFFFFFFFF  }
0xaf: {  	[dreg:$0x0] =	wrdreg $0x60  }
0xb0: {  	[dreg:$0x2] =	wrdreg s2  }
0xb1: {  	[dreg:$0x3] =	wrdreg s18  }
0xb2: {  	[dreg:$0x4] =	wrdreg s4  }
0xb3: {  	[dreg:$0x5] =	wrdreg s24  }
0xb4: {  	[dreg:$0x6] =	wrdreg $0x9  }
0xb5: {  	_ =	task.clear_ibuf [dreg:s9], $0x7FFFF;
	_ =	strace $0x90000046  }
0xb6: {  	s29 =	simm.s32 $0x9;
	_ =	strace $0x80000048  }
0xb7: {  	_ =	swait.ge [sflag:s29], $0x1  }
0xb8: {  	[sflag:s29] =	ssyncadd.s32 $0xFFFFFFFF  }
0xb9: {  	_ =	strace $0x90000048  }
0xba: {  	_ =	sfence  }
0xbb: {  	s30 =	sld [smem:$0x0];
	_ =	sdelay $0x2  }
0xbc: {  	s31 =	sshll.u32 s1, $0xD;
	s1 =	sshrl.u32 s1, $0x2  }
0xbd: {  	s3 =	sand.u32 $0x4000, s31;
	s1 =	sadd.s32 s1, s30  }
0xbe: {  	s0 =	sor.u32 s3, s0;
	s1 =	sshll.u32 s1, $0x11  }
0xbf: {  	s0 =	sor.u32 s1, s0  }
0xc0: {  	s0 =	sadd.s32 $0x8F2B, s0  }
0xc1: {  	[sflag:s0] =	ssyncadd.remote.s32 $0x1  }
0xc2: {  	_ =	sfence.sel $0xFFFF  }
0xc3: {  	[dreg:$0x0] =	wrdreg $0xFFFFFFFF;
	(pc) =	sbr.abs _section_cstart, $3  }
0xc4: {  	[dreg:$0x1] =	wrdreg $0xFFFFFFFF  }
0xc5: {  	_ =	task.clear_ibuf [dreg:s9], $0x2FFFF;
	_ =	strace $0x9FFFFFFF  }
0xc6: {  	(tm) =	ssettm $0x7FFFFFFF  }
0xc7: {  	_ =	shalt  }
tec
execute0_lowered:
.L_overlay_start_1:
0x0: {  	(tag) =	ssettag $0x1  }
0x1: {  	s5 =	rddreg [dreg:$0x0]  }
0x2: {  	s4 =	rddreg [dreg:$0x1]  }
0x3: {  	s2 =	rddreg [dreg:$0x2]  }
0x4: {  	s6 =	rddreg [dreg:$0x3]  }
0x5: {  	s0 =	rddreg [dreg:$0x4];
	s7 =	srdreg.scid  }
0x6: {  	s1 =	stileid.u32;
	s3 =	simm.s32 $0x0;
	s11 =	simm.s32 $0x1  }
0x7: {  	s12 =	simm.s32 $0x2;
	s13 =	simm.s32 $0x8080;
	s14 =	simm.s32 $0x0  }
0x8: {  	s7 =	sand.u32 $0x1, s7;
	s8 =	sshll.u32 s1, $0x1;
	[smem:$0x7FF] =	sst s3  }
0x9: {  	s8 =	sor.u32 s7, s8;
	_ =	strace $0x80000047;
	s7 =	ssub.s32 $0x2, s7  }
0xa: {  	s9 =	sshll.u32 s8, $0x4;
	s10 =	sshrl.u32 s7, $0x1;
	s8 =	sshll.u32 s8, $0xB  }
0xb: {  	s6 =	sadd.s32 s9, s6;
	s7 =	ssub.s32 s7, s10;
	s4 =	sadd.s32 s4, s8  }
0xc: {  	s5 =	sadd.s32 s5, s9;
	s8 =	simm.s32 $0x4080;
	s9 =	simm.s32 $0x3  }
0xd: {  	s10 =	simm.s32 $0x80;
	s6 =	sadd.s32 $0x600, s6;
	s7 =	smax.u32 s7, $0x1  }
.LBB2_1:
0xe: {  	[tilespmem:s8], [sflag:$0x1] =	stream.linear.gather [hbm4b:s4+s3], $0x4000, $0x38;
	[tilespmem:$0x8100] =	vst v63  }
0xf: {  	_ = 	snop  }
0x10: {  	[tilespmem:s3], [sflag:$0x3] =	stream.linear.gather [hbm4b:s5+s3], $0x80, $0x38;
	[tilespmem:$0x8100] =	vst v63  }
0x11: {  	_ =	swait.ge [sflag:s9], $0x80  }
0x12: {  	[sflag:s9] =	ssyncset.done $0x0  }
0x13: {  	[sflag:s9] =	ssyncadd.s32 $0xFFFFFF80  }
0x14: {  	[tilespmem:s10], [sflag:$0x2] =	stream.indirect.gather [hbm4b:s2+s10], $0x80, s3, s10, $0xb8;
	[tilespmem:$0x8100] =	vst v63  }
0x15: {  	_ =	swait.ge [sflag:s11], $0x4000  }
0x16: {  	[sflag:s11] =	ssyncset.done $0x0  }
0x17: {  	[sflag:s11] =	ssyncadd.s32 $0xFFFFC000  }
0x18: {  	_ =	swait.ge [sflag:s12], $0x4000  }
0x19: {  	[sflag:s12] =	ssyncset.done $0x0  }
0x1a: {  	s16 =	simm.s32 $0x0;
	[sflag:s12] =	ssyncadd.s32 $0xFFFFC000  }
0x1b: {  	v0 =	vld [tilespmem:s16+$0x40F0]  }
0x1c: {  	v1 =	vld [tilespmem:s16+$0xF0]  }
0x1d: {  	v2 =	vld [tilespmem:s16+$0x4080]  }
0x1e: {  	v3 =	vld [tilespmem:s16+$0x80]  }
0x1f: {  	v4 =	vld [tilespmem:s16+$0x4090]  }
0x20: {  	v5 =	vld [tilespmem:s16+$0x90]  }
0x21: {  	v6 =	vld [tilespmem:s16+$0x40A0]  }
0x22: {  	v7 =	vld [tilespmem:s16+$0xA0]  }
0x23: {  	v8 =	vld [tilespmem:s16+$0x40B0]  }
0x24: {  	v9 =	vld [tilespmem:s16+$0xB0];
	_ =	sdelay $0x2  }
0x25: {  	v13 =	vld [tilespmem:s16+$0xC0];
	v0 =	vsub.f32 v0, v1;
	v2 =	vsub.f32 v2, v3  }
0x26: {  	v1 =	vld [tilespmem:s16+$0x40C0];
	v3 =	vsub.f32 v4, v5;
	v4 =	vsub.f32 v6, v7  }
0x27: {  	v11 =	vld [tilespmem:s16+$0x40D0];
	v8 =	vsub.f32 v8, v9;
	v0 =	vmul.f32 v0, v0;
	v2 =	vmul.f32 v2, v2  }
0x28: {  	v12 =	vld [tilespmem:s16+$0xD0];
	v6 =	vimm.f32 $0.0e+00;
	v3 =	vmul.f32 v3, v3;
	v7 =	vmul.f32 v4, v4  }
0x29: {  	v10 =	vld [tilespmem:s16+$0xE0];
	v14 =	vmul.f32 v8, v8;
	v0 =	vadd.f32 v0, v6;
	v4 =	vadd.f32 v2, v6  }
0x2a: {  	s15 =	simm.s32 $0x80;
	v9 =	vld [tilespmem:s16+$0x40E0];
	v5 =	vadd.f32 v3, v6;
	v3 =	vadd.f32 v7, v6;
	v7 =	vimm.f32 $0.0e+00  }
0x2b: {  	s16 =	simm.s32 $0x400;
	v8 =	vld [tilespmem:s15+$0x40F0];
	v2 =	vimm.f32 $0.0e+00;
	v13 =	vsub.f32 v1, v13;
	v1 =	vimm.f32 $0.0e+00  }
.LBB2_2:
0x2c: {  	p0 =	sne.s32 s16, $0xFE00;
	v15 =	vld [tilespmem:s15+$0xF0]  }
0x2d: {  	v16 =	vld [tilespmem:s15+$0x4080];
	v6 =	vadd.f32 v14, v6;
	v13 =	vmul.f32 v13, v13;
	v11 =	vsub.f32 v11, v12  }
0x2e: {  	v12 =	vld [tilespmem:s15+$0x80]  }
0x2f: {  	v14 =	vld [tilespmem:s15+$0x4090];
	v7 =	vadd.f32 v13, v7;
	v11 =	vmul.f32 v11, v11;
	v9 =	vsub.f32 v9, v10  }
0x30: {  	v10 =	vld [tilespmem:s15+$0x90]  }
0x31: {  	v13 =	vld [tilespmem:s15+$0x40A0];
	v8 =	vsub.f32 v8, v15;
	v2 =	vadd.f32 v11, v2;
	v9 =	vmul.f32 v9, v9  }
0x32: {  	v11 =	vld [tilespmem:s15+$0xA0]  }
0x33: {  	v12 =	vsub.f32 v16, v12;
	v15 =	vld [tilespmem:s15+$0x40B0];
	v8 =	vmul.f32 v8, v8;
	v1 =	vadd.f32 v9, v1  }
0x34: {  	v9 =	vld [tilespmem:s15+$0xB0]  }
0x35: {  	v12 =	vmul.f32 v12, v12;
	v10 =	vsub.f32 v14, v10;
	v16 =	vld [tilespmem:s15+$0x40C0];
	v0 =	vadd.f32 v8, v0  }
0x36: {  	v17 =	vld [tilespmem:s15+$0xC0]  }
.Ltmp0:
0x37: {  	v4 =	vadd.f32 v12, v4;
	v8 =	vmul.f32 v10, v10;
	v10 =	vsub.f32 v13, v11;
	v11 =	vld [tilespmem:s15+$0x40D0];
	(pc) =	sbr.rel @p0 .LBB2_2-.Ltmp0, $4  }
0x38: {  	v12 =	vld [tilespmem:s15+$0xD0]  }
0x39: {  	v5 =	vadd.f32 v8, v5;
	v13 =	vmul.f32 v10, v10;
	v14 =	vsub.f32 v15, v9;
	v9 =	vld [tilespmem:s15+$0x40E0]  }
0x3a: {  	v10 =	vld [tilespmem:s15+$0xE0];
	s15 =	sshra.s32 s16, $0x2  }
0x3b: {  	s16 =	sadd.s32 $0x200, s16;
	v8 =	vld [tilespmem:s15+$0x40F0];
	v3 =	vadd.f32 v13, v3;
	v14 =	vmul.f32 v14, v14;
	v13 =	vsub.f32 v16, v17  }
0x3c: {  	v15 =	vld [tilespmem:s15+$0x4080]  }
0x3d: {  	v16 =	vld [tilespmem:s15+$0x80]  }
0x3e: {  	v17 =	vld [tilespmem:s15+$0x4090]  }
0x3f: {  	v18 =	vld [tilespmem:s15+$0x90]  }
0x40: {  	v19 =	vld [tilespmem:s15+$0x40A0]  }
0x41: {  	v20 =	vld [tilespmem:s15+$0xA0]  }
0x42: {  	v21 =	vld [tilespmem:s15+$0x40B0]  }
0x43: {  	v22 =	vld [tilespmem:s15+$0xB0]  }
0x44: {  	v23 =	vld [tilespmem:s15+$0x40C0]  }
0x45: {  	v46 =	vld [tilespmem:s15+$0xC0];
	v15 =	vsub.f32 v15, v16;
	v45 =	vsub.f32 v17, v18  }
0x46: {  	v51 =	vld [tilespmem:s15+$0x40D0];
	v6 =	vadd.f32 v14, v6;
	v11 =	vsub.f32 v11, v12;
	v47 =	vmul.f32 v13, v13  }
0x47: {  	v53 =	vld [tilespmem:s15+$0xD0];
	v50 =	vsub.f32 v19, v20;
	v48 =	vmul.f32 v15, v15;
	v49 =	vmul.f32 v45, v45  }
0x48: {  	v55 =	vld [tilespmem:s15+$0x40E0];
	v7 =	vadd.f32 v47, v7;
	v52 =	vsub.f32 v21, v22  }
0x49: {  	v57 =	vld [tilespmem:s15+$0xE0];
	v54 =	vmul.f32 v50, v50;
	v4 =	vadd.f32 v48, v4;
	v5 =	vadd.f32 v49, v5  }
0x4a: {  	v9 =	vsub.f32 v9, v10;
	v11 =	vmul.f32 v11, v11;
	v56 =	vsub.f32 v23, v46  }
0x4b: {  	v12 =	vmul.f32 v52, v52;
	v3 =	vadd.f32 v54, v3;
	v4 =	vadd.f32 v5, v4  }
0x4c: {  	v58 =	vld [tilespmem:s15+$0xF0];
	v59 =	vsub.f32 v51, v53;
	v2 =	vadd.f32 v11, v2  }
0x4d: {  	v10 =	vmul.f32 v56, v56;
	v6 =	vadd.f32 v12, v6;
	v3 =	vadd.f32 v3, v4  }
0x4e: {  	v60 =	vmul.f32 v9, v9;
	v62 =	vsub.f32 v55, v57;
	v61 =	vmul.f32 v59, v59  }
0x4f: {  	v7 =	vadd.f32 v10, v7;
	v3 =	vadd.f32 v6, v3  }
0x50: {  	v1 =	vadd.f32 v60, v1;
	v2 =	vadd.f32 v61, v2  }
0x51: {  	v63 =	vmul.f32 v62, v62;
	v5 =	vsub.f32 v8, v58;
	v3 =	vadd.f32 v7, v3;
	_ =	sdelay $0x1  }
0x52: {  	v1 =	vadd.f32 v63, v1;
	v5 =	vmul.f32 v5, v5;
	v2 =	vadd.f32 v2, v3;
	_ =	sdelay $0x1  }
0x53: {  	v0 =	vadd.f32 v5, v0;
	v1 =	vadd.f32 v1, v2;
	_ =	sdelay $0x1  }
0x54: {  	v0 =	vadd.f32 v0, v1;
	_ =	sdelay $0x1  }
0x55: {  	s14 =	sadd.s32 $0x1, s14;
	v0 =	vmul.f32 $5.000000000e-01, v0  }
0x56: {  	p0 =	sne.s32 s14, s7  }
.Ltmp1:
0x57: {  	[tilespmem:$0x8080] =	vst v0;
	(pc) =	sbr.rel @p0 .LBB2_1-.Ltmp1, $4  }
0x58: {  	[hbm4b:s6+s3] =	stream.linear.scatter [tilespmem:s13], [sflag:$0x3], $0x80, $0x38;
	[tilespmem:$0x8100] =	vst v63  }
0x59: {  	_ =	swait.ge [sflag:s9], $0x80  }
0x5a: {  	[sflag:s9] =	ssyncset.done $0x0  }
0x5b: {  	[sflag:s9] =	ssyncadd.s32 $0xFFFFFF80  }
0x5c: {  	_ =	sfence.sel $0x180000  }
0x5d: {  	[bflag:$0x0] =	sbarrier.arrive $0xFFFF  }
0x5e: {  	p0 =	sne.s32 s1, $0x0;
	_ =	strace $0x90000047  }
0x5f: {  	s0 =	sadd.s32 @!p0 $0x100000, s0;
	[bflag:$0x2] =	sbarrier.arrive $0xFFFF  }
0x60: {  	[sflag:s0] =	ssyncadd.tile.s32 @!p0 $0x1;
	_ =	shalt  }
.Lfunc_end2:
_tile_overlayer_lowered:
.L_overlay_start_2:
0x61: {  	(tag) =	ssettag $0x2  }
0x62: {  	s0 =	rddreg [dreg:$0x0];
	s2 =	stileid.u32  }
0x63: {  	s1 =	rddreg [dreg:$0x1];
	p0 =	sne.s32 s2, $0x0  }
0x64: {  	s3 =	rddreg [dreg:$0x2];
	[bflag:$0x3] =	sbarrier.arrive $0xFFFF;
	s2 =	simm.s32 @!p0 $0x1C03  }
0x65: {  	[timem:s3], [sflag:s2] =	dma.local @!p0 [hbm:s0], s1  }
0x66: {  	s0 =	simm.s32 @!p0 $0x3  }
0x67: {  	_ =	swait.ge @!p0 [sflag:s0], s1  }
0x68: {  	s1 =	ssub.s32 @!p0 $0x0, s1;
	[sflag:s0] =	ssyncset.done @!p0 $0x0  }
0x69: {  	[sflag:s0] =	ssyncadd.s32 @!p0 s1  }
0x6a: {  	[bflag:$0x3] =	sbarrier.arrive $0xFFFF  }
0x6b: {  	_ =	shalt  }

</sc_bundles>
